<compile_context>
chip_gen: v7x
topology: tpu7x:2x2x1
jax: 0.10.2.dev20260603
libtpu: 0.0.44.dev20260713+nightly
codegen_flags: <defaults>
</compile_context>

<pallas_src>
import functools

import jax
import jax.numpy as jnp
from jax import lax
from jax.experimental import pallas as pl
from jax.experimental.pallas import tpu as pltpu
from jax.experimental.pallas import tpu_sc as plsc

NUM_EMB = 1000
D = 128
N = 16384

_info = plsc.get_sparse_core_info()
_NC = _info.num_cores
_NS = _info.num_subcores
_L = _info.num_lanes
_NW = _NC * _NS
_BT = N // _NW


def _matvec_body(t_ref, d_ref, o_ref):
    o_ref[...] = jnp.sum(t_ref[...] * d_ref[...], axis=1)


def _row_scores(table, d_row):
    return pl.pallas_call(
        _matvec_body,
        out_shape=jax.ShapeDtypeStruct((NUM_EMB,), jnp.float32),
    )(table, d_row)


_mesh = plsc.VectorSubcoreMesh(core_axis_name="c", subcore_axis_name="s")


@functools.partial(
    pl.kernel,
    mesh=_mesh,
    out_type=jax.ShapeDtypeStruct((N,), jnp.float32),
    scratch_types=[
        pltpu.VMEM((NUM_EMB,), jnp.float32),
        pltpu.VMEM((_BT,), jnp.int32),
        pltpu.VMEM((_BT,), jnp.float32),
        pltpu.SemaphoreType.DMA,
        pltpu.SemaphoreType.DMA,
        pltpu.SemaphoreType.DMA,
    ],
    compiler_params=pltpu.CompilerParams(needs_layout_passes=False),
)
def _gather_scores(scores_hbm, ids_hbm, out_hbm,
                   scores_v, ids_v, out_v, sem_s, sem_i, sem_o):
    wid = lax.axis_index("c") * _NS + lax.axis_index("s")
    base = wid * _BT
    half = _BT // 2
    sc_copy = pltpu.async_copy(scores_hbm, scores_v, sem_s)
    id_copy = pltpu.async_copy(ids_hbm.at[pl.ds(base, _BT)], ids_v, sem_i)
    sc_copy.wait()
    id_copy.wait()

    def _gather_step(t, carry):
        off = pl.multiple_of(t * _L, _L)
        idx = ids_v[pl.ds(off, _L)]
        out_v[pl.ds(off, _L)] = plsc.load_gather(scores_v, [idx])
        return carry

    lax.fori_loop(0, half // _L, _gather_step, 0)
    o_copy = pltpu.async_copy(out_v.at[pl.ds(0, half)],
                              out_hbm.at[pl.ds(base, half)], sem_o)
    lax.fori_loop(half // _L, _BT // _L, _gather_step, 0)
    pltpu.sync_copy(out_v.at[pl.ds(half, half)],
                    out_hbm.at[pl.ds(base + half, half)])
    o_copy.wait()


def kernel(disease_emb, treatment_ids, treatment_embeddings):
    d_row = disease_emb.reshape(1, D)
    row_scores = _row_scores(treatment_embeddings, d_row)
    ids = treatment_ids.astype(jnp.int32)
    return _gather_scores(row_scores, ids)

# --- scband reference (transcript-rebuilt; emitter-appended) ---
"""Pipeline reference for scband-treatment-scorer-80307298500711 (READ-ONLY COPY).

The authoritative reference and input builder live on the scoring server;
editing this copy changes nothing except your own understanding.
"""

import jax, jax.numpy as jnp
import numpy as np

NUM_EMBEDDINGS = 1000
EMB_DIM = 128
N = 16384

def setup_inputs(seed: int = 0) -> dict:
    key = jax.random.key(seed)
    k1, k2, k3 = jax.random.split(key, 3)
    disease_emb = jax.random.normal(k1, (EMB_DIM,), dtype=jnp.float32)
    treatment_ids = jax.random.randint(k2, (N,), 0, NUM_EMBEDDINGS, dtype=jnp.int64) if jax.config.jax_enable_x64 else jax.random.randint(k2, (N,), 0, NUM_EMBEDDINGS, dtype=jnp.int32)
    treatment_embeddings = jax.random.normal(k3, (NUM_EMBEDDINGS, EMB_DIM), dtype=jnp.float32)
    return {"disease_emb": disease_emb, "treatment_ids": treatment_ids, "treatment_embeddings": treatment_embeddings}

def reference(disease_emb, treatment_ids, treatment_embeddings):
    # Embedding lookup: gather rows from the table
    t_emb = jnp.take(treatment_embeddings, treatment_ids, axis=0)  # [N, emb_dim]
    # Score each treatment against the disease embedding
    scores = jnp.matmul(t_emb, disease_emb)  # [N]
    return scores

if __name__ == "__main__":
    import jax
    _d = setup_inputs()
    print(jax.jit(kernel)(*tuple(_d.values())))

</pallas_src>

<mosaic_0001>
#map = affine_map<(d0, d1) -> (0)>
module attributes {stable_mosaic.version = 14 : i64} {
  func.func @_gather_scores(%arg0: i32, %arg1: i32, %arg2: memref<1000xf32, #tpu.memory_space<hbm>>, %arg3: memref<16384xi32, #tpu.memory_space<hbm>>, %arg4: memref<16384xf32, #tpu.memory_space<hbm>>, %arg5: memref<1000xf32, #tpu.memory_space<vmem>>, %arg6: memref<512xi32, #tpu.memory_space<vmem>>, %arg7: memref<512xf32, #tpu.memory_space<vmem>>, %arg8: memref<!tpu.dma_semaphore, #tpu.memory_space<semaphore_mem>>, %arg9: memref<!tpu.dma_semaphore, #tpu.memory_space<semaphore_mem>>, %arg10: memref<!tpu.dma_semaphore, #tpu.memory_space<semaphore_mem>>) attributes {dimension_semantics = [#tpu.dimension_semantics<core_parallel>, #tpu.dimension_semantics<subcore_parallel>], iteration_bounds = array<i64: 2, 16>, scalar_prefetch = 0 : i64, scratch_operands = 6 : i64, tpu.core_type = #tpu.core_type<sc_vector_subcore>, window_params = [{transform_indices = #map}, {transform_indices = #map}, {transform_indices = #map}]} {
    %mul3A = arith.constant 16 : i32
    %mul3A_0 = arith.muli %arg0, %mul3A : i32
    %add3A = arith.addi %mul3A_0, %arg1 : i32
    %mul3A_1 = arith.constant 512 : i32
    %mul3A_2 = arith.muli %add3A, %mul3A_1 : i32
    tpu.enqueue_dma source(%arg2 : memref<1000xf32, #tpu.memory_space<hbm>>) target(%arg5 : memref<1000xf32, #tpu.memory_space<vmem>>) target_semaphore(%arg8 : memref<!tpu.dma_semaphore, #tpu.memory_space<semaphore_mem>>)
    %dma_start3A = tpu.memref_slice %arg3[%mul3A_2] : memref<16384xi32, #tpu.memory_space<hbm>> -> memref<512xi32, #tpu.memory_space<hbm>>
    %dma_start3A_3 = tpu.memref_slice %arg3[%mul3A_2] : memref<16384xi32, #tpu.memory_space<hbm>> -> memref<512xi32, #tpu.memory_space<hbm>>
    tpu.enqueue_dma source(%dma_start3A_3 : memref<512xi32, #tpu.memory_space<hbm>>) target(%arg6 : memref<512xi32, #tpu.memory_space<vmem>>) target_semaphore(%arg9 : memref<!tpu.dma_semaphore, #tpu.memory_space<semaphore_mem>>)
    tpu.wait_dma2 semaphore(%arg8 : memref<!tpu.dma_semaphore, #tpu.memory_space<semaphore_mem>>) src(%arg2 : memref<1000xf32, #tpu.memory_space<hbm>>) dst(%arg5 : memref<1000xf32, #tpu.memory_space<vmem>>)
    %dma_wait3A = tpu.memref_slice %arg3[%mul3A_2] : memref<16384xi32, #tpu.memory_space<hbm>> -> memref<512xi32, #tpu.memory_space<hbm>>
    %dma_wait3A_4 = tpu.memref_slice %arg3[%mul3A_2] : memref<16384xi32, #tpu.memory_space<hbm>> -> memref<512xi32, #tpu.memory_space<hbm>>
    tpu.wait_dma2 semaphore(%arg9 : memref<!tpu.dma_semaphore, #tpu.memory_space<semaphore_mem>>) src(%dma_wait3A_4 : memref<512xi32, #tpu.memory_space<hbm>>) dst(%arg6 : memref<512xi32, #tpu.memory_space<vmem>>)
    %scan3A = arith.constant 0 : i32
    %scan3A_5 = arith.constant 0 : i32
    %scan3A_6 = arith.constant 16 : i32
    %scan3A_7 = arith.addi %scan3A_5, %scan3A_6 : i32
    %scan3A_8 = arith.constant 1 : i32
    scf.for %scan3A_30 = %scan3A_5 to %scan3A_7 step %scan3A_8  : i32 {
      %mul3A_31 = arith.constant 16 : i32
      %mul3A_32 = arith.muli %scan3A_30, %mul3A_31 : i32
      %multiple_of3A = tpu.assume_multiple %mul3A_32, 16 : i32
      %get3A = arith.index_cast %multiple_of3A : i32 to index
      %get3A_33 = tpu.vector_load %arg6[%get3A] {strides = array<i32>} : memref<512xi32, #tpu.memory_space<vmem>>, vector<16xi32>,
      %gather3A = tpu.vector_load_idx %arg5[%get3A_33] : memref<1000xf32, #tpu.memory_space<vmem>>[vector<16xi32>], vector<16xf32>,
      %swap3A = arith.index_cast %multiple_of3A : i32 to index
      %swap3A_34 = tpu.vector_load %arg7[%swap3A] {strides = array<i32>} : memref<512xf32, #tpu.memory_space<vmem>>, vector<16xf32>,
      tpu.vector_store %arg7[%swap3A], %gather3A {strides = array<i32>} : memref<512xf32, #tpu.memory_space<vmem>>, vector<16xf32>,
    }
    %scan3A_9 = arith.constant 16 : i32
    %dma_start3A_10 = arith.constant 0 : i32
    %dma_start3A_11 = tpu.memref_slice %arg7[%dma_start3A_10] : memref<512xf32, #tpu.memory_space<vmem>> -> memref<256xf32, #tpu.memory_space<vmem>>
    %dma_start3A_12 = tpu.memref_slice %arg4[%mul3A_2] : memref<16384xf32, #tpu.memory_space<hbm>> -> memref<256xf32, #tpu.memory_space<hbm>>
    %dma_start3A_13 = tpu.memref_slice %arg4[%mul3A_2] : memref<16384xf32, #tpu.memory_space<hbm>> -> memref<256xf32, #tpu.memory_space<hbm>>
    %dma_start3A_14 = arith.constant 0 : i32
    %dma_start3A_15 = tpu.memref_slice %arg7[%dma_start3A_14] : memref<512xf32, #tpu.memory_space<vmem>> -> memref<256xf32, #tpu.memory_space<vmem>>
    tpu.enqueue_dma source(%dma_start3A_15 : memref<256xf32, #tpu.memory_space<vmem>>) target(%dma_start3A_13 : memref<256xf32, #tpu.memory_space<hbm>>) target_semaphore(%arg10 : memref<!tpu.dma_semaphore, #tpu.memory_space<semaphore_mem>>)
    %scan3A_16 = arith.constant 0 : i32
    %scan3A_17 = arith.constant 16 : i32
    %scan3A_18 = arith.constant 16 : i32
    %scan3A_19 = arith.addi %scan3A_17, %scan3A_18 : i32
    %scan3A_20 = arith.constant 1 : i32
    scf.for %scan3A_30 = %scan3A_17 to %scan3A_19 step %scan3A_20  : i32 {
      %mul3A_31 = arith.constant 16 : i32
      %mul3A_32 = arith.muli %scan3A_30, %mul3A_31 : i32
      %multiple_of3A = tpu.assume_multiple %mul3A_32, 16 : i32
      %get3A = arith.index_cast %multiple_of3A : i32 to index
      %get3A_33 = tpu.vector_load %arg6[%get3A] {strides = array<i32>} : memref<512xi32, #tpu.memory_space<vmem>>, vector<16xi32>,
      %gather3A = tpu.vector_load_idx %arg5[%get3A_33] : memref<1000xf32, #tpu.memory_space<vmem>>[vector<16xi32>], vector<16xf32>,
      %swap3A = arith.index_cast %multiple_of3A : i32 to index
      %swap3A_34 = tpu.vector_load %arg7[%swap3A] {strides = array<i32>} : memref<512xf32, #tpu.memory_space<vmem>>, vector<16xf32>,
      tpu.vector_store %arg7[%swap3A], %gather3A {strides = array<i32>} : memref<512xf32, #tpu.memory_space<vmem>>, vector<16xf32>,
    }
    %scan3A_21 = arith.constant 16 : i32
    %add3A_22 = arith.constant 256 : i32
    %add3A_23 = arith.addi %mul3A_2, %add3A_22 : i32
    "tpu.region"() ({
      %run_scoped3A = tpu.sem_alloc : memref<!tpu.dma_semaphore, #tpu.memory_space<semaphore_mem>>
      %dma_start3A_30 = arith.constant 256 : i32
      %dma_start3A_31 = tpu.memref_slice %arg7[%dma_start3A_30] : memref<512xf32, #tpu.memory_space<vmem>> -> memref<256xf32, #tpu.memory_space<vmem>>
      %dma_start3A_32 = tpu.memref_slice %arg4[%add3A_23] : memref<16384xf32, #tpu.memory_space<hbm>> -> memref<256xf32, #tpu.memory_space<hbm>>
      %dma_start3A_33 = tpu.memref_slice %arg4[%add3A_23] : memref<16384xf32, #tpu.memory_space<hbm>> -> memref<256xf32, #tpu.memory_space<hbm>>
      %dma_start3A_34 = arith.constant 256 : i32
      %dma_start3A_35 = tpu.memref_slice %arg7[%dma_start3A_34] : memref<512xf32, #tpu.memory_space<vmem>> -> memref<256xf32, #tpu.memory_space<vmem>>
      tpu.enqueue_dma source(%dma_start3A_35 : memref<256xf32, #tpu.memory_space<vmem>>) target(%dma_start3A_33 : memref<256xf32, #tpu.memory_space<hbm>>) target_semaphore(%run_scoped3A : memref<!tpu.dma_semaphore, #tpu.memory_space<semaphore_mem>>)
      %dma_wait3A_36 = arith.constant 256 : i32
      %dma_wait3A_37 = tpu.memref_slice %arg7[%dma_wait3A_36] : memref<512xf32, #tpu.memory_space<vmem>> -> memref<256xf32, #tpu.memory_space<vmem>>
      %dma_wait3A_38 = tpu.memref_slice %arg4[%add3A_23] : memref<16384xf32, #tpu.memory_space<hbm>> -> memref<256xf32, #tpu.memory_space<hbm>>
      %dma_wait3A_39 = tpu.memref_slice %arg4[%add3A_23] : memref<16384xf32, #tpu.memory_space<hbm>> -> memref<256xf32, #tpu.memory_space<hbm>>
      %dma_wait3A_40 = arith.constant 256 : i32
      %dma_wait3A_41 = tpu.memref_slice %arg7[%dma_wait3A_40] : memref<512xf32, #tpu.memory_space<vmem>> -> memref<256xf32, #tpu.memory_space<vmem>>
      tpu.wait_dma2 semaphore(%run_scoped3A : memref<!tpu.dma_semaphore, #tpu.memory_space<semaphore_mem>>) src(%dma_wait3A_41 : memref<256xf32, #tpu.memory_space<vmem>>) dst(%dma_wait3A_39 : memref<256xf32, #tpu.memory_space<hbm>>)
      tpu.yield
    }) : () -> ()
    %dma_wait3A_24 = arith.constant 0 : i32
    %dma_wait3A_25 = tpu.memref_slice %arg7[%dma_wait3A_24] : memref<512xf32, #tpu.memory_space<vmem>> -> memref<256xf32, #tpu.memory_space<vmem>>
    %dma_wait3A_26 = tpu.memref_slice %arg4[%mul3A_2] : memref<16384xf32, #tpu.memory_space<hbm>> -> memref<256xf32, #tpu.memory_space<hbm>>
    %dma_wait3A_27 = tpu.memref_slice %arg4[%mul3A_2] : memref<16384xf32, #tpu.memory_space<hbm>> -> memref<256xf32, #tpu.memory_space<hbm>>
    %dma_wait3A_28 = arith.constant 0 : i32
    %dma_wait3A_29 = tpu.memref_slice %arg7[%dma_wait3A_28] : memref<512xf32, #tpu.memory_space<vmem>> -> memref<256xf32, #tpu.memory_space<vmem>>
    tpu.wait_dma2 semaphore(%arg10 : memref<!tpu.dma_semaphore, #tpu.memory_space<semaphore_mem>>) src(%dma_wait3A_29 : memref<256xf32, #tpu.memory_space<vmem>>) dst(%dma_wait3A_27 : memref<256xf32, #tpu.memory_space<hbm>>)
    return
  }
}

module attributes {stable_mosaic.version = 14 : i64} {
  func.func @_matvec_body(%arg0: memref<1000x128xf32, #tpu.memory_space<vmem>>, %arg1: memref<1x128xf32, #tpu.memory_space<vmem>>, %arg2: memref<1000xf32, #tpu.memory_space<vmem>>) attributes {dimension_semantics = [], scalar_prefetch = 0 : i64, scratch_operands = 0 : i64, tpu.core_type = #tpu.core_type<tc>} {
    %get3A = arith.constant 0 : index
    %get3A_0 = arith.constant 0 : index
    %get3A_1 = vector.load %arg0[%get3A, %get3A_0] : memref<1000x128xf32, #tpu.memory_space<vmem>>, vector<1000x128xf32>
    %get3A_2 = arith.constant 0 : index
    %get3A_3 = arith.constant 0 : index
    %get3A_4 = vector.load %arg1[%get3A_2, %get3A_3] : memref<1x128xf32, #tpu.memory_space<vmem>>, vector<1x128xf32>
    %mul3A = vector.broadcast %get3A_4 : vector<1x128xf32> to vector<1000x128xf32>
    %mul3A_5 = arith.mulf %get3A_1, %mul3A : vector<1000x128xf32>
    %reduce_sum3A = arith.constant dense<0.000000e+00> : vector<1000xf32>
    %reduce_sum3A_6 = vector.multi_reduction <add>, %mul3A_5, %reduce_sum3A [1] : vector<1000x128xf32> to vector<1000xf32>
    %swap3A = arith.constant 0 : index
    %swap3A_7 = vector.load %arg2[%swap3A] : memref<1000xf32, #tpu.memory_space<vmem>>, vector<1000xf32>
    tpu.vector_store %arg2[%swap3A], %reduce_sum3A_6 {strides = array<i32>} : memref<1000xf32, #tpu.memory_space<vmem>>, vector<1000xf32>,
    return
  }
}

</mosaic_0001>

<sc_bundles>
// kernel: kernel.4.cloned.1.call-start
scs
__scs_entry_jumppad:
0x0: {  	(pc) =	sbr.rel $0x88, $3  }
0x1: {  	(tag) =	ssettag $0x0;
	lr =	simm.s32 $0x1  }
0x2: {  	[smem:$0x3F9E] =	sst lr;
	_ =	strace $0xD0000000  }
0x3: {  	_ = 	snop  }
0x4: {  	_ = 	snop  }
0x5: {  	_ = 	snop  }
0x6: {  	_ = 	snop  }
0x7: {  	_ = 	snop  }
__scs_overlays_trampoline_lowered:
0x8: {  	[smem:$0x3FAD] =	sst s0  }
0x9: {  	[smem:$0x3FAE] =	sst s1  }
0xa: {  	[smem:$0x3FAF] =	sst s2  }
0xb: {  	[smem:$0x3FB0] =	sst s3  }
0xc: {  	[smem:$0x3FB1] =	sst s4  }
0xd: {  	[smem:$0x3FB2] =	sst s5  }
0xe: {  	[smem:$0x3FB3] =	sst s6  }
0xf: {  	[smem:$0x3FB4] =	sst s7  }
0x10: {  	[smem:$0x3FB5] =	sst s8  }
0x11: {  	[smem:$0x3FB6] =	sst s9;
	s0 =	simm.s32 @!p0 $0x0  }
0x12: {  	s1 =	sld [smem:$0x3F9C];
	s0 =	simm.s32 @p0 $0x1  }
0x13: {  	[smem:$0x3FB7] =	sst s0;
	s0 =	simm.s32 @!p1 $0x0  }
0x14: {  	s2 =	sld [smem:$0x3F9B];
	s0 =	simm.s32 @p1 $0x1  }
0x15: {  	[smem:$0x3FB8] =	sst s0;
	s0 =	simm.s32 @!p2 $0x0  }
0x16: {  	s3 =	sld [smem:$0x3FDB];
	s0 =	simm.s32 @p2 $0x1  }
0x17: {  	s4 =	simm.s32 $0x1BF5;
	[smem:$0x3FBA] =	sst s0  }
0x18: {  	s0 =	sld [smem:$0x3F9D];
	_ =	swait.ge [sflag:s4], $0x0  }
0x19: {  	s7 =	sld [smem:$0x3F9E]  }
0x1a: {  	s8 =	sadd.s32 $0xFFFFE003, lr  }
0x1b: {  	s9 =	sadd.s32 $0xFFFFFEF7, lr;
	s5 =	simm.s32 $0xFFFFFFFF;
	p2 =	slt.u32 s8, $0xFFFFF086  }
0x1c: {  	p1 =	slt.u32 s9, $0xF7A;
	s5 =	simm.s32 @!p2 $0x0  }
0x1d: {  	s5 =	simm.s32 @p1 $0x1;
	p0 =	seq.s32 s7, s2  }
0x1e: {  	s7 =	smul.u32 @!p0 $0xF7A, s2;
	p2 =	seq.s32 @!p0 s5, $0x0  }
0x1f: {  	s9 =	smul.u32 $0xF7A, s1;
	s8 =	simm.s32 @!p0 $0x1BF5;
	p2 =	por !p2, p0  }
0x20: {  	[sflag:s8] =	ssyncset.s32 @!p0 $0xFFFFF086;
	s6 =	sadd.s32 @!p0 s3, s7;
	s7 =	simm.s32 @!p0 $0x108  }
0x21: {  	s3 =	sadd.s32 s3, s9;
	s6 =	sadd.s32 @!p0 $0x88, s6;
	s7 =	simm.s32 @p2 $0x1082  }
0x22: {  	[simem:s7], [sflag:s8] =	dma.local @!p0 [hbm:s6], $0xF7A  }
0x23: {  	s9 =	sor.u32 $0xD0000000, s2;
	s6 =	simm.s32 $0x108;
	_ =	swait.ge @!p0 [sflag:s8], $0x0  }
0x24: {  	s3 =	sadd.s32 $0x88, s3;
	s6 =	simm.s32 @!p1 $0x1082;
	[sflag:s4] =	ssyncset.s32 $0xFFFFF086  }
0x25: {  	[simem:s6], [sflag:s4] =	dma.local [hbm:s3], $0xF7A  }
0x26: {  	[smem:$0x3F9E] =	sst s1;
	(tag) =	ssettag s2;
	_ =	strace s9  }
0x27: {  	s1 =	sld [smem:$0x3FAE]  }
0x28: {  	s2 =	sld [smem:$0x3FAF]  }
0x29: {  	s4 =	sld [smem:$0x3FB1]  }
0x2a: {  	p0 =	seq.s32 s5, $0x0;
	s5 =	sld [smem:$0x3FB2]  }
0x2b: {  	s6 =	sld [smem:$0x3FB3]  }
0x2c: {  	s7 =	sld [smem:$0x3FB4]  }
0x2d: {  	s3 =	simm.s32 $0x108;
	s8 =	sld [smem:$0x3FB5]  }
0x2e: {  	s3 =	simm.s32 @!p0 $0x1082;
	s9 =	sld [smem:$0x3FB6]  }
0x2f: {  	lr =	sadd.s32 s0, s3;
	s0 =	sld [smem:$0x3FAD]  }
0x30: {  	s3 =	sld [smem:$0x3FB0]  }
0x31: {  	[smem:$0x3FB9] =	sst s10  }
0x32: {  	s10 =	sld [smem:$0x3FB7];
	_ =	sdelay $0x3  }
0x33: {  	p0 =	seq.s32 s10, $0x1;
	s10 =	sld [smem:$0x3FB9];
	_ =	sdelay $0x3  }
0x34: {  	[smem:$0x3FB9] =	sst s10  }
0x35: {  	s10 =	sld [smem:$0x3FB8];
	_ =	sdelay $0x3  }
0x36: {  	p1 =	seq.s32 s10, $0x1;
	s10 =	sld [smem:$0x3FB9];
	_ =	sdelay $0x3  }
0x37: {  	[smem:$0x3FB9] =	sst s10  }
0x38: {  	s10 =	sld [smem:$0x3FBA]  }
0x39: {  	_ = 	snop;
	(pc) =	sbr.ind lr, $3  }
0x3a: {  	_ = 	snop  }
0x3b: {  	_ = 	snop  }
0x3c: {  	p2 =	seq.s32 s10, $0x1;
	s10 =	sld [smem:$0x3FB9]  }
0x3d: {  	_ =	shalt  }
0x3e: {  	_ =	shalt  }
0x3f: {  	_ =	shalt  }
0x40: {  	_ =	shalt  }
0x41: {  	_ =	shalt  }
0x42: {  	_ =	shalt  }
0x43: {  	_ =	shalt  }
0x44: {  	_ =	shalt  }
0x45: {  	_ =	shalt  }
0x46: {  	_ =	shalt  }
0x47: {  	_ =	shalt  }
0x48: {  	_ =	shalt  }
0x49: {  	_ =	shalt  }
0x4a: {  	_ =	shalt  }
0x4b: {  	_ =	shalt  }
0x4c: {  	_ =	shalt  }
0x4d: {  	_ =	shalt  }
0x4e: {  	_ =	shalt  }
0x4f: {  	_ =	shalt  }
0x50: {  	_ =	shalt  }
0x51: {  	_ =	shalt  }
0x52: {  	_ =	shalt  }
0x53: {  	_ =	shalt  }
0x54: {  	_ =	shalt  }
0x55: {  	_ =	shalt  }
0x56: {  	_ =	shalt  }
0x57: {  	_ =	shalt  }
0x58: {  	_ =	shalt  }
0x59: {  	_ =	shalt  }
0x5a: {  	_ =	shalt  }
0x5b: {  	_ =	shalt  }
0x5c: {  	_ =	shalt  }
0x5d: {  	_ =	shalt  }
0x5e: {  	_ =	shalt  }
0x5f: {  	_ =	shalt  }
0x60: {  	_ =	shalt  }
0x61: {  	_ =	shalt  }
0x62: {  	_ =	shalt  }
0x63: {  	_ =	shalt  }
0x64: {  	_ =	shalt  }
0x65: {  	_ =	shalt  }
0x66: {  	_ =	shalt  }
0x67: {  	_ =	shalt  }
0x68: {  	_ =	shalt  }
0x69: {  	_ =	shalt  }
0x6a: {  	_ =	shalt  }
0x6b: {  	_ =	shalt  }
0x6c: {  	_ =	shalt  }
0x6d: {  	_ =	shalt  }
0x6e: {  	_ =	shalt  }
0x6f: {  	_ =	shalt  }
0x70: {  	_ =	shalt  }
0x71: {  	_ =	shalt  }
0x72: {  	_ =	shalt  }
0x73: {  	_ =	shalt  }
0x74: {  	_ =	shalt  }
0x75: {  	_ =	shalt  }
0x76: {  	_ =	shalt  }
0x77: {  	_ =	shalt  }
0x78: {  	_ =	shalt  }
0x79: {  	_ =	shalt  }
0x7a: {  	_ =	shalt  }
0x7b: {  	_ =	shalt  }
0x7c: {  	_ =	shalt  }
0x7d: {  	_ =	shalt  }
0x7e: {  	_ =	shalt  }
0x7f: {  	_ =	shalt  }
0x80: {  	_ =	shalt  }
0x81: {  	_ =	shalt  }
0x82: {  	_ =	shalt  }
0x83: {  	_ =	shalt  }
0x84: {  	_ =	shalt  }
0x85: {  	_ =	shalt  }
0x86: {  	_ =	shalt  }
0x87: {  	_ =	shalt  }
.Lfunc_end0:
.L_simem_size_0:
called_computation_lowered:
.L_overlay_start_0:
0x88: {  	s2 =	sld [smem:$0x3FD9]  }
0x89: {  	s3 =	sld [smem:$0x3FFE];
	_ =	sdelay $0x1  }
0x8a: {  	s1 =	srdreg.scid  }
0x8b: {  	s0 =	sand.u32 $0x1, s1  }
0x8c: {  	s17 =	sshll.u32 s0, $0xA;
	s2 =	sadd.s32 s3, s2  }
0x8d: {  	s2 =	sadd.s32 s2, s17  }
0x8e: {  	[smem:$0x3FC5] =	sst s2  }
0x8f: {  	_ = 	snop  }
0x90: {  	s2 =	sld [smem:$0x3FC8]  }
0x91: {  	s18 =	sld [smem:$0x3FD0];
	(tm) =	ssettm $0x1  }
0x92: {  	s4 =	sld [smem:$0x3FFB];
	_ =	sdelay $0x3  }
0x93: {  	_ =	strace s4  }
0x94: {  	s4 =	sld [smem:$0x3FFC];
	_ =	sdelay $0x3  }
0x95: {  	_ =	strace s4  }
0x96: {  	s4 =	sld [smem:$0x3FFD];
	_ =	sdelay $0x3  }
0x97: {  	_ =	strace s4  }
0x98: {  	_ =	strace $0x8FFFFFFF  }
0x99: {  	s19 =	sld [smem:$0x3FDB];
	_ =	sdelay $0x1  }
0x9a: {  	s5 =	simm.s32 $_scs_section_size  }
0x9b: {  	s6 =	simm.s32 $_size__tile_overlayer_lowered;
	s7 =	simm.s32 $_tile_overlayer_lowered  }
0x9c: {  	s22 =	simm.s32 $0x1BFF;
	s21 =	sshll.u32 s7, $0x1;
	s4 =	sadd.s32 s5, s19  }
0x9d: {  	s8 =	simm.s32 $0x0;
	s20 =	sshll.u32 s6, $0x1;
	s6 =	sadd.s32 s21, s4  }
0x9e: {  	[timem:s8], [sflag:s22] =	dma.local [hbm:s6], s20  }
0x9f: {  	_ =	swait.ge [sflag:s22], s20  }
0xa0: {  	s5 =	ssub.s32 $0x0, s20;
	[sflag:s22] =	ssyncset.done $0x0  }
0xa1: {  	[sflag:s22] =	ssyncadd.s32 s5;
	_ =	sdelay $0x1  }
0xa2: {  	s23 =	simm.s32 $0x1B8B  }
0xa3: {  	_ =	swait.ge [sflag:s23], $0x1  }
0xa4: {  	[sflag:s23] =	ssyncset.done $0x0  }
0xa5: {  	s25 =	simm.s32 $0x1B8E;
	s24 =	sld [smem:$0x3FFE];
	[sflag:s23] =	ssyncadd.s32 $0xFFFFFFFF  }
0xa6: {  	s26 =	simm.s32 $execute0_lowered;
	[smem:$0x3FD2] =	sst s25  }
0xa7: {  	s6 =	sshll.u32 s26, $0x1;
	_ =	strace $0x80000046;
	[dreg:$0x1] =	wrdreg $0xFFFFFFFF  }
0xa8: {  	s28 =	simm.s32 $_size_execute0_lowered;
	s4 =	sadd.s32 s4, s6;
	[dreg:$0x0] =	wrdreg $0x0  }
0xa9: {  	s6 =	sshll.u32 s28, $0x1;
	[dreg:$0x2] =	wrdreg s4  }
0xaa: {  	[dreg:$0x3] =	wrdreg s6  }
0xab: {  	[dreg:$0x4] =	wrdreg $0xC0  }
0xac: {  	_ =	task [dreg:s8], $0x5FFFF  }
0xad: {  	[dreg:$0x1] =	wrdreg $0xFFFFFFFF  }
0xae: {  	[dreg:$0x0] =	wrdreg $0x60  }
0xaf: {  	[dreg:$0x2] =	wrdreg s24  }
0xb0: {  	[dreg:$0x3] =	wrdreg s2  }
0xb1: {  	[dreg:$0x4] =	wrdreg s18  }
0xb2: {  	[dreg:$0x5] =	wrdreg $0x9  }
0xb3: {  	_ =	task.clear_ibuf [dreg:s8], $0x6FFFF;
	_ =	strace $0x90000046  }
0xb4: {  	s29 =	simm.s32 $0x9;
	_ =	strace $0x80000048  }
0xb5: {  	_ =	swait.ge [sflag:s29], $0x1  }
0xb6: {  	[sflag:s29] =	ssyncadd.s32 $0xFFFFFFFF  }
0xb7: {  	_ =	strace $0x90000048  }
0xb8: {  	_ =	sfence  }
0xb9: {  	s30 =	sld [smem:$0x0];
	_ =	sdelay $0x2  }
0xba: {  	s31 =	sshll.u32 s1, $0xD;
	s1 =	sshrl.u32 s1, $0x2  }
0xbb: {  	s3 =	sand.u32 $0x4000, s31;
	s1 =	sadd.s32 s1, s30  }
0xbc: {  	s0 =	sor.u32 s3, s0;
	s1 =	sshll.u32 s1, $0x11  }
0xbd: {  	s0 =	sor.u32 s1, s0  }
0xbe: {  	s0 =	sadd.s32 $0x8F2B, s0  }
0xbf: {  	[sflag:s0] =	ssyncadd.remote.s32 $0x1  }
0xc0: {  	_ =	sfence.sel $0xFFFF  }
0xc1: {  	[dreg:$0x0] =	wrdreg $0xFFFFFFFF;
	(pc) =	sbr.abs _section_cstart, $3  }
0xc2: {  	[dreg:$0x1] =	wrdreg $0xFFFFFFFF  }
0xc3: {  	_ =	task.clear_ibuf [dreg:s8], $0x2FFFF;
	_ =	strace $0x9FFFFFFF  }
0xc4: {  	(tm) =	ssettm $0x7FFFFFFF  }
0xc5: {  	_ =	shalt  }
tec
execute0_lowered:
.L_overlay_start_1:
0x0: {  	(tag) =	ssettag $0x1  }
0x1: {  	s3 =	rddreg [dreg:$0x0]  }
0x2: {  	s4 =	rddreg [dreg:$0x1]  }
0x3: {  	s5 =	rddreg [dreg:$0x2]  }
0x4: {  	s0 =	rddreg [dreg:$0x3]  }
0x5: {  	s2 =	simm.s32 $0x0;
	s6 =	srdreg.scid;
	s1 =	stileid.u32  }
0x6: {  	s10 =	simm.s32 $0x2;
	s11 =	simm.s32 $0x600;
	s12 =	simm.s32 $0x700  }
0x7: {  	s13 =	simm.s32 $0x4;
	s14 =	simm.s32 $0x3;
	[smem:$0x7FF] =	sst s2  }
0x8: {  	s6 =	sand.u32 $0x1, s6;
	s8 =	sshll.u32 s1, $0x6;
	s3 =	sadd.s32 $0xA00, s3  }
0x9: {  	_ =	strace $0x80000047;
	s7 =	ssub.s32 $0x2, s6;
	s6 =	sshll.u32 s6, $0xA  }
0xa: {  	s9 =	sshrl.u32 s7, $0x1;
	s6 =	sor.u32 s8, s6;
	s8 =	simm.s32 $0x400  }
0xb: {  	s7 =	ssub.s32 s7, s9;
	s4 =	sadd.s32 s4, s6;
	s5 =	sadd.s32 s5, s6  }
0xc: {  	s9 =	simm.s32 $0x1;
	s6 =	sadd.s32 $0x20, s5;
	s7 =	smax.u32 s7, $0x1  }
.LBB2_1:
0xd: {  	[tilespmem:s2], [sflag:$0x1] =	stream.linear.gather [hbm4b:s3+s2], $0x400, $0x38;
	[tilespmem:$0x800] =	vst v63  }
0xe: {  	_ = 	snop  }
0xf: {  	[tilespmem:s8], [sflag:$0x2] =	stream.linear.gather [hbm4b:s4+s2], $0x200, $0x38;
	[tilespmem:$0x800] =	vst v63  }
0x10: {  	_ =	swait.ge [sflag:s9], $0x400  }
0x11: {  	[sflag:s9] =	ssyncset.done $0x0  }
0x12: {  	[sflag:s9] =	ssyncadd.s32 $0xFFFFFC00  }
0x13: {  	_ =	swait.ge [sflag:s10], $0x200  }
0x14: {  	[sflag:s10] =	ssyncset.done $0x0  }
0x15: {  	[sflag:s10] =	ssyncadd.s32 $0xFFFFFE00  }
0x16: {  	v0 =	vld [tilespmem:$0x400];
	_ =	sdelay $0x5  }
0x17: {  	v1 =	vld [tilespmem:$0x410];
	_ =	sdelay $0x1  }
0x18: {  	v0 =	vld.idx.msk [tilespmem:v0+s2+$0x0], $0xffff;
	_ =	sdelay $0x3  }
0x19: {  	v2 =	vld [tilespmem:$0x420]  }
0x1a: {  	[tilespmem:$0x600] =	vst v0  }
0x1b: {  	v0 =	vld.idx.msk [tilespmem:v1+s2+$0x0], $0xffff;
	_ =	sdelay $0x3  }
0x1c: {  	v35 =	vld [tilespmem:$0x430]  }
0x1d: {  	[tilespmem:$0x610] =	vst v0  }
0x1e: {  	v0 =	vld.idx.msk [tilespmem:v2+s2+$0x0], $0xffff;
	_ =	sdelay $0x3  }
0x1f: {  	v36 =	vld [tilespmem:$0x440]  }
0x20: {  	[tilespmem:$0x620] =	vst v0  }
0x21: {  	v0 =	vld.idx.msk [tilespmem:v35+s2+$0x0], $0xffff;
	_ =	sdelay $0x3  }
0x22: {  	v37 =	vld [tilespmem:$0x450]  }
0x23: {  	[tilespmem:$0x630] =	vst v0  }
0x24: {  	v0 =	vld.idx.msk [tilespmem:v36+s2+$0x0], $0xffff;
	_ =	sdelay $0x3  }
0x25: {  	v38 =	vld [tilespmem:$0x460]  }
0x26: {  	[tilespmem:$0x640] =	vst v0  }
0x27: {  	v0 =	vld.idx.msk [tilespmem:v37+s2+$0x0], $0xffff;
	_ =	sdelay $0x3  }
0x28: {  	v39 =	vld [tilespmem:$0x470]  }
0x29: {  	[tilespmem:$0x650] =	vst v0  }
0x2a: {  	v0 =	vld.idx.msk [tilespmem:v38+s2+$0x0], $0xffff;
	_ =	sdelay $0x3  }
0x2b: {  	v40 =	vld [tilespmem:$0x480]  }
0x2c: {  	[tilespmem:$0x660] =	vst v0  }
0x2d: {  	v0 =	vld.idx.msk [tilespmem:v39+s2+$0x0], $0xffff;
	_ =	sdelay $0x3  }
0x2e: {  	v41 =	vld [tilespmem:$0x490]  }
0x2f: {  	[tilespmem:$0x670] =	vst v0  }
0x30: {  	v0 =	vld.idx.msk [tilespmem:v40+s2+$0x0], $0xffff;
	_ =	sdelay $0x3  }
0x31: {  	v42 =	vld [tilespmem:$0x4A0]  }
0x32: {  	[tilespmem:$0x680] =	vst v0  }
0x33: {  	v0 =	vld.idx.msk [tilespmem:v41+s2+$0x0], $0xffff;
	_ =	sdelay $0x3  }
0x34: {  	v43 =	vld [tilespmem:$0x4B0]  }
0x35: {  	[tilespmem:$0x690] =	vst v0  }
0x36: {  	v0 =	vld.idx.msk [tilespmem:v42+s2+$0x0], $0xffff;
	_ =	sdelay $0x3  }
0x37: {  	v44 =	vld [tilespmem:$0x4C0]  }
0x38: {  	[tilespmem:$0x6A0] =	vst v0  }
0x39: {  	v0 =	vld.idx.msk [tilespmem:v43+s2+$0x0], $0xffff;
	_ =	sdelay $0x3  }
0x3a: {  	v45 =	vld [tilespmem:$0x4D0]  }
0x3b: {  	[tilespmem:$0x6B0] =	vst v0  }
0x3c: {  	v0 =	vld.idx.msk [tilespmem:v44+s2+$0x0], $0xffff;
	_ =	sdelay $0x3  }
0x3d: {  	v46 =	vld [tilespmem:$0x4E0]  }
0x3e: {  	[tilespmem:$0x6C0] =	vst v0  }
0x3f: {  	v0 =	vld.idx.msk [tilespmem:v45+s2+$0x0], $0xffff;
	_ =	sdelay $0x3  }
0x40: {  	v47 =	vld [tilespmem:$0x4F0]  }
0x41: {  	[tilespmem:$0x6D0] =	vst v0  }
0x42: {  	v0 =	vld.idx.msk [tilespmem:v46+s2+$0x0], $0xffff;
	_ =	sdelay $0x4  }
0x43: {  	[tilespmem:$0x6E0] =	vst v0  }
0x44: {  	v0 =	vld.idx.msk [tilespmem:v47+s2+$0x0], $0xffff;
	_ =	sdelay $0x4  }
0x45: {  	[tilespmem:$0x6F0] =	vst v0  }
0x46: {  	[hbm4b:s5+s2] =	stream.linear.scatter [tilespmem:s11], [sflag:$0x3], $0x100, $0x38;
	[tilespmem:$0x800] =	vst v63  }
0x47: {  	v48 =	vld [tilespmem:$0x500];
	_ =	sdelay $0x5  }
0x48: {  	v49 =	vld [tilespmem:$0x510];
	_ =	sdelay $0x1  }
0x49: {  	v0 =	vld.idx.msk [tilespmem:v48+s2+$0x0], $0xffff;
	_ =	sdelay $0x3  }
0x4a: {  	v50 =	vld [tilespmem:$0x520]  }
0x4b: {  	[tilespmem:$0x700] =	vst v0  }
0x4c: {  	v0 =	vld.idx.msk [tilespmem:v49+s2+$0x0], $0xffff;
	_ =	sdelay $0x3  }
0x4d: {  	v51 =	vld [tilespmem:$0x530]  }
0x4e: {  	[tilespmem:$0x710] =	vst v0  }
0x4f: {  	v0 =	vld.idx.msk [tilespmem:v50+s2+$0x0], $0xffff;
	_ =	sdelay $0x3  }
0x50: {  	v52 =	vld [tilespmem:$0x540]  }
0x51: {  	[tilespmem:$0x720] =	vst v0  }
0x52: {  	v0 =	vld.idx.msk [tilespmem:v51+s2+$0x0], $0xffff;
	_ =	sdelay $0x3  }
0x53: {  	v53 =	vld [tilespmem:$0x550]  }
0x54: {  	[tilespmem:$0x730] =	vst v0  }
0x55: {  	v0 =	vld.idx.msk [tilespmem:v52+s2+$0x0], $0xffff;
	_ =	sdelay $0x3  }
0x56: {  	v54 =	vld [tilespmem:$0x560]  }
0x57: {  	[tilespmem:$0x740] =	vst v0  }
0x58: {  	v0 =	vld.idx.msk [tilespmem:v53+s2+$0x0], $0xffff;
	_ =	sdelay $0x3  }
0x59: {  	v55 =	vld [tilespmem:$0x570]  }
0x5a: {  	[tilespmem:$0x750] =	vst v0  }
0x5b: {  	v0 =	vld.idx.msk [tilespmem:v54+s2+$0x0], $0xffff;
	_ =	sdelay $0x3  }
0x5c: {  	v56 =	vld [tilespmem:$0x580]  }
0x5d: {  	[tilespmem:$0x760] =	vst v0  }
0x5e: {  	v0 =	vld.idx.msk [tilespmem:v55+s2+$0x0], $0xffff;
	_ =	sdelay $0x3  }
0x5f: {  	v57 =	vld [tilespmem:$0x590]  }
0x60: {  	[tilespmem:$0x770] =	vst v0  }
0x61: {  	v0 =	vld.idx.msk [tilespmem:v56+s2+$0x0], $0xffff;
	_ =	sdelay $0x3  }
0x62: {  	v58 =	vld [tilespmem:$0x5A0]  }
0x63: {  	[tilespmem:$0x780] =	vst v0  }
0x64: {  	v0 =	vld.idx.msk [tilespmem:v57+s2+$0x0], $0xffff;
	_ =	sdelay $0x3  }
0x65: {  	v59 =	vld [tilespmem:$0x5B0]  }
0x66: {  	[tilespmem:$0x790] =	vst v0  }
0x67: {  	v0 =	vld.idx.msk [tilespmem:v58+s2+$0x0], $0xffff;
	_ =	sdelay $0x3  }
0x68: {  	v60 =	vld [tilespmem:$0x5C0]  }
0x69: {  	[tilespmem:$0x7A0] =	vst v0  }
0x6a: {  	v0 =	vld.idx.msk [tilespmem:v59+s2+$0x0], $0xffff;
	_ =	sdelay $0x3  }
0x6b: {  	v61 =	vld [tilespmem:$0x5D0]  }
0x6c: {  	[tilespmem:$0x7B0] =	vst v0  }
0x6d: {  	v0 =	vld.idx.msk [tilespmem:v60+s2+$0x0], $0xffff;
	_ =	sdelay $0x3  }
0x6e: {  	v62 =	vld [tilespmem:$0x5E0]  }
0x6f: {  	[tilespmem:$0x7C0] =	vst v0  }
0x70: {  	v0 =	vld.idx.msk [tilespmem:v61+s2+$0x0], $0xffff;
	_ =	sdelay $0x3  }
0x71: {  	v63 =	vld [tilespmem:$0x5F0]  }
0x72: {  	[tilespmem:$0x7D0] =	vst v0  }
0x73: {  	v0 =	vld.idx.msk [tilespmem:v62+s2+$0x0], $0xffff;
	_ =	sdelay $0x4  }
0x74: {  	[tilespmem:$0x7E0] =	vst v0  }
0x75: {  	v0 =	vld.idx.msk [tilespmem:v63+s2+$0x0], $0xffff;
	_ =	sdelay $0x4  }
0x76: {  	[tilespmem:$0x7F0] =	vst v0  }
0x77: {  	[hbm4b:s6+s2] =	stream.linear.scatter [tilespmem:s12], [sflag:$0x4], $0x100, $0x38;
	[tilespmem:$0x800] =	vst v63  }
0x78: {  	p0 =	sne.s32 s7, $0x1;
	_ =	swait.ge [sflag:s13], $0x100  }
.Ltmp0:
0x79: {  	[sflag:s13] =	ssyncset.done $0x0;
	(pc) =	sbr.rel @p0 .LBB2_1-.Ltmp0, $4  }
0x7a: {  	[sflag:s13] =	ssyncadd.s32 $0xFFFFFF00  }
0x7b: {  	_ =	swait.ge [sflag:s14], $0x100  }
0x7c: {  	[sflag:s14] =	ssyncset.done $0x0  }
0x7d: {  	s7 =	sadd.s32 $0xFFFFFFFF, s7;
	[sflag:s14] =	ssyncadd.s32 $0xFFFFFF00  }
0x7e: {  	_ =	sfence.sel $0x180000  }
0x7f: {  	[bflag:$0x0] =	sbarrier.arrive $0xFFFF  }
0x80: {  	p0 =	sne.s32 s1, $0x0;
	_ =	strace $0x90000047  }
0x81: {  	s0 =	sadd.s32 @!p0 $0x100000, s0;
	[bflag:$0x2] =	sbarrier.arrive $0xFFFF  }
0x82: {  	[sflag:s0] =	ssyncadd.tile.s32 @!p0 $0x1;
	_ =	shalt  }
.Lfunc_end2:
_tile_overlayer_lowered:
.L_overlay_start_2:
0x83: {  	(tag) =	ssettag $0x2  }
0x84: {  	s0 =	rddreg [dreg:$0x0];
	s2 =	stileid.u32  }
0x85: {  	s1 =	rddreg [dreg:$0x1];
	p0 =	sne.s32 s2, $0x0  }
0x86: {  	s3 =	rddreg [dreg:$0x2];
	[bflag:$0x3] =	sbarrier.arrive $0xFFFF;
	s2 =	simm.s32 @!p0 $0x1C04  }
0x87: {  	[timem:s3], [sflag:s2] =	dma.local @!p0 [hbm:s0], s1  }
0x88: {  	s0 =	simm.s32 @!p0 $0x4  }
0x89: {  	_ =	swait.ge @!p0 [sflag:s0], s1  }
0x8a: {  	s1 =	ssub.s32 @!p0 $0x0, s1;
	[sflag:s0] =	ssyncset.done @!p0 $0x0  }
0x8b: {  	[sflag:s0] =	ssyncadd.s32 @!p0 s1  }
0x8c: {  	[bflag:$0x3] =	sbarrier.arrive $0xFFFF  }
0x8d: {  	_ =	shalt  }

</sc_bundles>
